<compile_context>
chip_gen: v7x
topology: tpu7x:2x2x1
jax: 0.10.2.dev20260603
libtpu: 0.0.44.dev20260713+nightly
codegen_flags: <defaults>
</compile_context>

<pallas_src>
import jax
import jax.numpy as jnp
from jax import lax
from jax.experimental import pallas as pl
from jax.experimental.pallas import tpu as pltpu
from jax.experimental.pallas import tpu_sc as plsc

_NUM_ENTITIES = 100000
_NUM_RELATIONS = 1000
_DIM = 128
_BATCH = 4096

_info = plsc.get_sparse_core_info()
_NC, _NS = _info.num_cores, _info.num_subcores
_NW = _NC * _NS
_BPW = _BATCH // _NW

_mesh = plsc.VectorSubcoreMesh(core_axis_name="c", subcore_axis_name="s")


@jax.jit
def _lookup_concat(e_ids, r_ids, entity_embeddings, relation_embeddings):
    @pl.kernel(
        out_type=jax.ShapeDtypeStruct((_BATCH, 2 * _DIM), jnp.float32),
        mesh=_mesh,
        scratch_types=[
            pltpu.VMEM((_BPW,), jnp.int32),
            pltpu.VMEM((_BPW,), jnp.int32),
            pltpu.VMEM((_BPW, 2 * _DIM), jnp.float32),
            pltpu.SemaphoreType.DMA,
            pltpu.SemaphoreType.DMA,
            pltpu.SemaphoreType.DMA,
        ],
    )
    def k(e_hbm, r_hbm, ent_hbm, rel_hbm, out_hbm,
          eidx_v, ridx_v, cat_v, sem_e, sem_r, sem_w):
        wid = lax.axis_index("c") * _NS + lax.axis_index("s")
        base = wid * _BPW
        cp_ei = pltpu.async_copy(e_hbm.at[pl.ds(base, _BPW)], eidx_v, sem_e)
        cp_ri = pltpu.async_copy(r_hbm.at[pl.ds(base, _BPW)], ridx_v, sem_r)
        cp_ei.wait()
        cp_e = pltpu.async_copy(
            ent_hbm.at[eidx_v], cat_v.at[:, pl.ds(0, _DIM)], sem_e)
        cp_ri.wait()
        cp_r = pltpu.async_copy(
            rel_hbm.at[ridx_v], cat_v.at[:, pl.ds(_DIM, _DIM)], sem_r)
        cp_e.wait()
        cp_r.wait()
        pltpu.async_copy(
            cat_v, out_hbm.at[pl.ds(base, _BPW)], sem_w).wait()

    return k(e_ids, r_ids, entity_embeddings, relation_embeddings)


def kernel(e_ids, r_ids, entity_embeddings, relation_embeddings):
    return _lookup_concat(e_ids, r_ids, entity_embeddings, relation_embeddings)

# --- scband reference (transcript-rebuilt; emitter-appended) ---
"""Pipeline reference for scband-knowledge-graph-87101936763671 (READ-ONLY COPY).

The authoritative reference and input builder live on the scoring server;
editing this copy changes nothing except your own understanding.
"""

import jax, jax.numpy as jnp
import numpy as np

NUM_ENTITIES = 100000
NUM_RELATIONS = 1000
ENTITY_DIM = 128
RELATION_DIM = 128
BATCH = 4096


def setup_inputs(seed: int = 0) -> dict:
    key = jax.random.key(seed)
    k1, k2, k3, k4 = jax.random.split(key, 4)
    e_ids = jax.random.randint(k1, (BATCH,), 0, NUM_ENTITIES, dtype=jnp.int64 if jax.config.jax_enable_x64 else jnp.int32).astype(jnp.int32)
    r_ids = jax.random.randint(k2, (BATCH,), 0, NUM_RELATIONS, dtype=jnp.int64 if jax.config.jax_enable_x64 else jnp.int32).astype(jnp.int32)
    # learned parameters (xavier-style init as in initialize_modules)
    entity_embeddings = jax.random.normal(k3, (NUM_ENTITIES, ENTITY_DIM), dtype=jnp.float32) * (1.0 / np.sqrt(ENTITY_DIM))
    relation_embeddings = jax.random.normal(k4, (NUM_RELATIONS, RELATION_DIM), dtype=jnp.float32) * (1.0 / np.sqrt(RELATION_DIM))
    return {
        "e_ids": e_ids,
        "r_ids": r_ids,
        "entity_embeddings": entity_embeddings,
        "relation_embeddings": relation_embeddings,
    }


def reference(e_ids, r_ids, entity_embeddings, relation_embeddings):
    # KnowledgeGraph.get_entity_embeddings / get_relation_embeddings with
    # emb_dropout_rate=0.0 (eval mode): pure embedding table gathers.
    E = jnp.take(entity_embeddings, e_ids, axis=0)
    R = jnp.take(relation_embeddings, r_ids, axis=0)
    # concatenated (entity, relation) representation as consumed downstream
    out = jnp.concatenate([E, R], axis=-1)
    return out

if __name__ == "__main__":
    import jax
    _d = setup_inputs()
    print(jax.jit(kernel)(*tuple(_d.values())))

</pallas_src>

<mosaic_0001>
#map = affine_map<(d0, d1) -> (0)>
#map1 = affine_map<(d0, d1) -> (0, 0)>
module attributes {stable_mosaic.version = 14 : i64} {
  func.func @k(%arg0: i32, %arg1: i32, %arg2: memref<4096xi32, #tpu.memory_space<hbm>>, %arg3: memref<4096xi32, #tpu.memory_space<hbm>>, %arg4: memref<100000x128xf32, #tpu.memory_space<hbm>>, %arg5: memref<1000x128xf32, #tpu.memory_space<hbm>>, %arg6: memref<4096x256xf32, #tpu.memory_space<hbm>>, %arg7: memref<128xi32, #tpu.memory_space<vmem>>, %arg8: memref<128xi32, #tpu.memory_space<vmem>>, %arg9: memref<128x256xf32, #tpu.memory_space<vmem>>, %arg10: memref<!tpu.dma_semaphore, #tpu.memory_space<semaphore_mem>>, %arg11: memref<!tpu.dma_semaphore, #tpu.memory_space<semaphore_mem>>, %arg12: memref<!tpu.dma_semaphore, #tpu.memory_space<semaphore_mem>>) attributes {dimension_semantics = [#tpu.dimension_semantics<core_parallel>, #tpu.dimension_semantics<subcore_parallel>], iteration_bounds = array<i64: 2, 16>, scalar_prefetch = 0 : i64, scratch_operands = 6 : i64, tpu.core_type = #tpu.core_type<sc_vector_subcore>, window_params = [{transform_indices = #map}, {transform_indices = #map}, {transform_indices = #map1}, {transform_indices = #map1}, {transform_indices = #map1}]} {
    %mul3A = arith.constant 16 : i32
    %mul3A_0 = arith.muli %arg0, %mul3A : i32
    %add3A = arith.addi %mul3A_0, %arg1 : i32
    %mul3A_1 = arith.constant 128 : i32
    %mul3A_2 = arith.muli %add3A, %mul3A_1 : i32
    %dma_start3A = tpu.memref_slice %arg2[%mul3A_2] : memref<4096xi32, #tpu.memory_space<hbm>> -> memref<128xi32, #tpu.memory_space<hbm>>
    %dma_start3A_3 = tpu.memref_slice %arg2[%mul3A_2] : memref<4096xi32, #tpu.memory_space<hbm>> -> memref<128xi32, #tpu.memory_space<hbm>>
    tpu.enqueue_dma source(%dma_start3A_3 : memref<128xi32, #tpu.memory_space<hbm>>) target(%arg7 : memref<128xi32, #tpu.memory_space<vmem>>) target_semaphore(%arg10 : memref<!tpu.dma_semaphore, #tpu.memory_space<semaphore_mem>>)
    %dma_start3A_4 = tpu.memref_slice %arg3[%mul3A_2] : memref<4096xi32, #tpu.memory_space<hbm>> -> memref<128xi32, #tpu.memory_space<hbm>>
    %dma_start3A_5 = tpu.memref_slice %arg3[%mul3A_2] : memref<4096xi32, #tpu.memory_space<hbm>> -> memref<128xi32, #tpu.memory_space<hbm>>
    tpu.enqueue_dma source(%dma_start3A_5 : memref<128xi32, #tpu.memory_space<hbm>>) target(%arg8 : memref<128xi32, #tpu.memory_space<vmem>>) target_semaphore(%arg11 : memref<!tpu.dma_semaphore, #tpu.memory_space<semaphore_mem>>)
    %dma_wait3A = tpu.memref_slice %arg2[%mul3A_2] : memref<4096xi32, #tpu.memory_space<hbm>> -> memref<128xi32, #tpu.memory_space<hbm>>
    %dma_wait3A_6 = tpu.memref_slice %arg2[%mul3A_2] : memref<4096xi32, #tpu.memory_space<hbm>> -> memref<128xi32, #tpu.memory_space<hbm>>
    tpu.wait_dma2 semaphore(%arg10 : memref<!tpu.dma_semaphore, #tpu.memory_space<semaphore_mem>>) src(%dma_wait3A_6 : memref<128xi32, #tpu.memory_space<hbm>>) dst(%arg7 : memref<128xi32, #tpu.memory_space<vmem>>)
    %dma_start3A_7 = arith.constant 0 : i32
    %dma_start3A_8 = arith.constant 0 : i32
    %dma_start3A_9 = tpu.memref_slice %arg9[%dma_start3A_7, %dma_start3A_8] : memref<128x256xf32, #tpu.memory_space<vmem>> -> memref<128x128xf32, #tpu.memory_space<vmem>>
    %dma_start3A_10 = arith.constant 0 : i32
    %dma_start3A_11 = arith.constant 0 : i32
    %dma_start3A_12 = tpu.memref_slice %arg4[%dma_start3A_10, %dma_start3A_11] : memref<100000x128xf32, #tpu.memory_space<hbm>> -> memref<100000x128xf32, #tpu.memory_space<hbm>>
    tpu.enqueue_indirect_dma source(%dma_start3A_12 : memref<100000x128xf32, #tpu.memory_space<hbm>>) target(%dma_start3A_9 : memref<128x128xf32, #tpu.memory_space<vmem>>) offsets(%arg7 : memref<128xi32, #tpu.memory_space<vmem>>) semaphore(%arg10 : memref<!tpu.dma_semaphore, #tpu.memory_space<semaphore_mem>>)
    %dma_wait3A_13 = tpu.memref_slice %arg3[%mul3A_2] : memref<4096xi32, #tpu.memory_space<hbm>> -> memref<128xi32, #tpu.memory_space<hbm>>
    %dma_wait3A_14 = tpu.memref_slice %arg3[%mul3A_2] : memref<4096xi32, #tpu.memory_space<hbm>> -> memref<128xi32, #tpu.memory_space<hbm>>
    tpu.wait_dma2 semaphore(%arg11 : memref<!tpu.dma_semaphore, #tpu.memory_space<semaphore_mem>>) src(%dma_wait3A_14 : memref<128xi32, #tpu.memory_space<hbm>>) dst(%arg8 : memref<128xi32, #tpu.memory_space<vmem>>)
    %dma_start3A_15 = arith.constant 0 : i32
    %dma_start3A_16 = arith.constant 128 : i32
    %dma_start3A_17 = tpu.memref_slice %arg9[%dma_start3A_15, %dma_start3A_16] : memref<128x256xf32, #tpu.memory_space<vmem>> -> memref<128x128xf32, #tpu.memory_space<vmem>>
    %dma_start3A_18 = arith.constant 0 : i32
    %dma_start3A_19 = arith.constant 0 : i32
    %dma_start3A_20 = tpu.memref_slice %arg5[%dma_start3A_18, %dma_start3A_19] : memref<1000x128xf32, #tpu.memory_space<hbm>> -> memref<1000x128xf32, #tpu.memory_space<hbm>>
    tpu.enqueue_indirect_dma source(%dma_start3A_20 : memref<1000x128xf32, #tpu.memory_space<hbm>>) target(%dma_start3A_17 : memref<128x128xf32, #tpu.memory_space<vmem>>) offsets(%arg8 : memref<128xi32, #tpu.memory_space<vmem>>) semaphore(%arg11 : memref<!tpu.dma_semaphore, #tpu.memory_space<semaphore_mem>>)
    %dma_wait3A_21 = arith.constant 0 : i32
    %dma_wait3A_22 = arith.constant 0 : i32
    %dma_wait3A_23 = tpu.memref_slice %arg9[%dma_wait3A_21, %dma_wait3A_22] : memref<128x256xf32, #tpu.memory_space<vmem>> -> memref<128x128xf32, #tpu.memory_space<vmem>>
    %dma_wait3A_24 = arith.constant 0 : i32
    %dma_wait3A_25 = arith.constant 0 : i32
    %dma_wait3A_26 = tpu.memref_slice %arg4[%dma_wait3A_24, %dma_wait3A_25] : memref<100000x128xf32, #tpu.memory_space<hbm>> -> memref<100000x128xf32, #tpu.memory_space<hbm>>
    tpu.wait_indirect_dma semaphore(%arg10 : memref<!tpu.dma_semaphore, #tpu.memory_space<semaphore_mem>>) src(%dma_wait3A_26 : memref<100000x128xf32, #tpu.memory_space<hbm>>) dst(%dma_wait3A_23 : memref<128x128xf32, #tpu.memory_space<vmem>>)
    %dma_wait3A_27 = arith.constant 0 : i32
    %dma_wait3A_28 = arith.constant 128 : i32
    %dma_wait3A_29 = tpu.memref_slice %arg9[%dma_wait3A_27, %dma_wait3A_28] : memref<128x256xf32, #tpu.memory_space<vmem>> -> memref<128x128xf32, #tpu.memory_space<vmem>>
    %dma_wait3A_30 = arith.constant 0 : i32
    %dma_wait3A_31 = arith.constant 0 : i32
    %dma_wait3A_32 = tpu.memref_slice %arg5[%dma_wait3A_30, %dma_wait3A_31] : memref<1000x128xf32, #tpu.memory_space<hbm>> -> memref<1000x128xf32, #tpu.memory_space<hbm>>
    tpu.wait_indirect_dma semaphore(%arg11 : memref<!tpu.dma_semaphore, #tpu.memory_space<semaphore_mem>>) src(%dma_wait3A_32 : memref<1000x128xf32, #tpu.memory_space<hbm>>) dst(%dma_wait3A_29 : memref<128x128xf32, #tpu.memory_space<vmem>>)
    %dma_start3A_33 = arith.constant 0 : i32
    %dma_start3A_34 = tpu.memref_slice %arg6[%mul3A_2, %dma_start3A_33] : memref<4096x256xf32, #tpu.memory_space<hbm>> -> memref<128x256xf32, #tpu.memory_space<hbm>>
    %dma_start3A_35 = arith.constant 0 : i32
    %dma_start3A_36 = tpu.memref_slice %arg6[%mul3A_2, %dma_start3A_35] : memref<4096x256xf32, #tpu.memory_space<hbm>> -> memref<128x256xf32, #tpu.memory_space<hbm>>
    tpu.enqueue_dma source(%arg9 : memref<128x256xf32, #tpu.memory_space<vmem>>) target(%dma_start3A_36 : memref<128x256xf32, #tpu.memory_space<hbm>>) target_semaphore(%arg12 : memref<!tpu.dma_semaphore, #tpu.memory_space<semaphore_mem>>)
    %dma_wait3A_37 = arith.constant 0 : i32
    %dma_wait3A_38 = tpu.memref_slice %arg6[%mul3A_2, %dma_wait3A_37] : memref<4096x256xf32, #tpu.memory_space<hbm>> -> memref<128x256xf32, #tpu.memory_space<hbm>>
    %dma_wait3A_39 = arith.constant 0 : i32
    %dma_wait3A_40 = tpu.memref_slice %arg6[%mul3A_2, %dma_wait3A_39] : memref<4096x256xf32, #tpu.memory_space<hbm>> -> memref<128x256xf32, #tpu.memory_space<hbm>>
    tpu.wait_dma2 semaphore(%arg12 : memref<!tpu.dma_semaphore, #tpu.memory_space<semaphore_mem>>) src(%arg9 : memref<128x256xf32, #tpu.memory_space<vmem>>) dst(%dma_wait3A_40 : memref<128x256xf32, #tpu.memory_space<hbm>>)
    return
  }
}

</mosaic_0001>

<sc_bundles>
// kernel: _lookup_concat.3.cloned.1.call-start
scs
__scs_entry_jumppad:
0x0: {  	(pc) =	sbr.rel $0x88, $3  }
0x1: {  	(tag) =	ssettag $0x0;
	lr =	simm.s32 $0x1  }
0x2: {  	[smem:$0x3F9D] =	sst lr;
	_ =	strace $0xD0000000  }
0x3: {  	_ = 	snop  }
0x4: {  	_ = 	snop  }
0x5: {  	_ = 	snop  }
0x6: {  	_ = 	snop  }
0x7: {  	_ = 	snop  }
__scs_overlays_trampoline_lowered:
0x8: {  	[smem:$0x3FAC] =	sst s0  }
0x9: {  	[smem:$0x3FAD] =	sst s1  }
0xa: {  	[smem:$0x3FAE] =	sst s2  }
0xb: {  	[smem:$0x3FAF] =	sst s3  }
0xc: {  	[smem:$0x3FB0] =	sst s4  }
0xd: {  	[smem:$0x3FB1] =	sst s5  }
0xe: {  	[smem:$0x3FB2] =	sst s6  }
0xf: {  	[smem:$0x3FB3] =	sst s7  }
0x10: {  	[smem:$0x3FB4] =	sst s8  }
0x11: {  	[smem:$0x3FB5] =	sst s9;
	s0 =	simm.s32 @!p0 $0x0  }
0x12: {  	s1 =	sld [smem:$0x3F9B];
	s0 =	simm.s32 @p0 $0x1  }
0x13: {  	[smem:$0x3FB6] =	sst s0;
	s0 =	simm.s32 @!p1 $0x0  }
0x14: {  	s2 =	sld [smem:$0x3F9A];
	s0 =	simm.s32 @p1 $0x1  }
0x15: {  	[smem:$0x3FB7] =	sst s0;
	s0 =	simm.s32 @!p2 $0x0  }
0x16: {  	s3 =	sld [smem:$0x3FDB];
	s0 =	simm.s32 @p2 $0x1  }
0x17: {  	s4 =	simm.s32 $0x1BF5;
	[smem:$0x3FB9] =	sst s0  }
0x18: {  	s0 =	sld [smem:$0x3F9C];
	_ =	swait.ge [sflag:s4], $0x0  }
0x19: {  	s7 =	sld [smem:$0x3F9D]  }
0x1a: {  	s8 =	sadd.s32 $0xFFFFE003, lr  }
0x1b: {  	s9 =	sadd.s32 $0xFFFFFEF7, lr;
	s5 =	simm.s32 $0xFFFFFFFF;
	p2 =	slt.u32 s8, $0xFFFFF086  }
0x1c: {  	p1 =	slt.u32 s9, $0xF7A;
	s5 =	simm.s32 @!p2 $0x0  }
0x1d: {  	s5 =	simm.s32 @p1 $0x1;
	p0 =	seq.s32 s7, s2  }
0x1e: {  	s7 =	smul.u32 @!p0 $0xF7A, s2;
	p2 =	seq.s32 @!p0 s5, $0x0  }
0x1f: {  	s9 =	smul.u32 $0xF7A, s1;
	s8 =	simm.s32 @!p0 $0x1BF5;
	p2 =	por !p2, p0  }
0x20: {  	[sflag:s8] =	ssyncset.s32 @!p0 $0xFFFFF086;
	s6 =	sadd.s32 @!p0 s3, s7;
	s7 =	simm.s32 @!p0 $0x108  }
0x21: {  	s3 =	sadd.s32 s3, s9;
	s6 =	sadd.s32 @!p0 $0x88, s6;
	s7 =	simm.s32 @p2 $0x1082  }
0x22: {  	[simem:s7], [sflag:s8] =	dma.local @!p0 [hbm:s6], $0xF7A  }
0x23: {  	s9 =	sor.u32 $0xD0000000, s2;
	s6 =	simm.s32 $0x108;
	_ =	swait.ge @!p0 [sflag:s8], $0x0  }
0x24: {  	s3 =	sadd.s32 $0x88, s3;
	s6 =	simm.s32 @!p1 $0x1082;
	[sflag:s4] =	ssyncset.s32 $0xFFFFF086  }
0x25: {  	[simem:s6], [sflag:s4] =	dma.local [hbm:s3], $0xF7A  }
0x26: {  	[smem:$0x3F9D] =	sst s1;
	(tag) =	ssettag s2;
	_ =	strace s9  }
0x27: {  	s1 =	sld [smem:$0x3FAD]  }
0x28: {  	s2 =	sld [smem:$0x3FAE]  }
0x29: {  	s4 =	sld [smem:$0x3FB0]  }
0x2a: {  	p0 =	seq.s32 s5, $0x0;
	s5 =	sld [smem:$0x3FB1]  }
0x2b: {  	s6 =	sld [smem:$0x3FB2]  }
0x2c: {  	s7 =	sld [smem:$0x3FB3]  }
0x2d: {  	s3 =	simm.s32 $0x108;
	s8 =	sld [smem:$0x3FB4]  }
0x2e: {  	s3 =	simm.s32 @!p0 $0x1082;
	s9 =	sld [smem:$0x3FB5]  }
0x2f: {  	lr =	sadd.s32 s0, s3;
	s0 =	sld [smem:$0x3FAC]  }
0x30: {  	s3 =	sld [smem:$0x3FAF]  }
0x31: {  	[smem:$0x3FB8] =	sst s10  }
0x32: {  	s10 =	sld [smem:$0x3FB6];
	_ =	sdelay $0x3  }
0x33: {  	p0 =	seq.s32 s10, $0x1;
	s10 =	sld [smem:$0x3FB8];
	_ =	sdelay $0x3  }
0x34: {  	[smem:$0x3FB8] =	sst s10  }
0x35: {  	s10 =	sld [smem:$0x3FB7];
	_ =	sdelay $0x3  }
0x36: {  	p1 =	seq.s32 s10, $0x1;
	s10 =	sld [smem:$0x3FB8];
	_ =	sdelay $0x3  }
0x37: {  	[smem:$0x3FB8] =	sst s10  }
0x38: {  	s10 =	sld [smem:$0x3FB9]  }
0x39: {  	_ = 	snop;
	(pc) =	sbr.ind lr, $3  }
0x3a: {  	_ = 	snop  }
0x3b: {  	_ = 	snop  }
0x3c: {  	p2 =	seq.s32 s10, $0x1;
	s10 =	sld [smem:$0x3FB8]  }
0x3d: {  	_ =	shalt  }
0x3e: {  	_ =	shalt  }
0x3f: {  	_ =	shalt  }
0x40: {  	_ =	shalt  }
0x41: {  	_ =	shalt  }
0x42: {  	_ =	shalt  }
0x43: {  	_ =	shalt  }
0x44: {  	_ =	shalt  }
0x45: {  	_ =	shalt  }
0x46: {  	_ =	shalt  }
0x47: {  	_ =	shalt  }
0x48: {  	_ =	shalt  }
0x49: {  	_ =	shalt  }
0x4a: {  	_ =	shalt  }
0x4b: {  	_ =	shalt  }
0x4c: {  	_ =	shalt  }
0x4d: {  	_ =	shalt  }
0x4e: {  	_ =	shalt  }
0x4f: {  	_ =	shalt  }
0x50: {  	_ =	shalt  }
0x51: {  	_ =	shalt  }
0x52: {  	_ =	shalt  }
0x53: {  	_ =	shalt  }
0x54: {  	_ =	shalt  }
0x55: {  	_ =	shalt  }
0x56: {  	_ =	shalt  }
0x57: {  	_ =	shalt  }
0x58: {  	_ =	shalt  }
0x59: {  	_ =	shalt  }
0x5a: {  	_ =	shalt  }
0x5b: {  	_ =	shalt  }
0x5c: {  	_ =	shalt  }
0x5d: {  	_ =	shalt  }
0x5e: {  	_ =	shalt  }
0x5f: {  	_ =	shalt  }
0x60: {  	_ =	shalt  }
0x61: {  	_ =	shalt  }
0x62: {  	_ =	shalt  }
0x63: {  	_ =	shalt  }
0x64: {  	_ =	shalt  }
0x65: {  	_ =	shalt  }
0x66: {  	_ =	shalt  }
0x67: {  	_ =	shalt  }
0x68: {  	_ =	shalt  }
0x69: {  	_ =	shalt  }
0x6a: {  	_ =	shalt  }
0x6b: {  	_ =	shalt  }
0x6c: {  	_ =	shalt  }
0x6d: {  	_ =	shalt  }
0x6e: {  	_ =	shalt  }
0x6f: {  	_ =	shalt  }
0x70: {  	_ =	shalt  }
0x71: {  	_ =	shalt  }
0x72: {  	_ =	shalt  }
0x73: {  	_ =	shalt  }
0x74: {  	_ =	shalt  }
0x75: {  	_ =	shalt  }
0x76: {  	_ =	shalt  }
0x77: {  	_ =	shalt  }
0x78: {  	_ =	shalt  }
0x79: {  	_ =	shalt  }
0x7a: {  	_ =	shalt  }
0x7b: {  	_ =	shalt  }
0x7c: {  	_ =	shalt  }
0x7d: {  	_ =	shalt  }
0x7e: {  	_ =	shalt  }
0x7f: {  	_ =	shalt  }
0x80: {  	_ =	shalt  }
0x81: {  	_ =	shalt  }
0x82: {  	_ =	shalt  }
0x83: {  	_ =	shalt  }
0x84: {  	_ =	shalt  }
0x85: {  	_ =	shalt  }
0x86: {  	_ =	shalt  }
0x87: {  	_ =	shalt  }
.Lfunc_end0:
.L_simem_size_0:
called_computation_lowered:
.L_overlay_start_0:
0x88: {  	s2 =	sld [smem:$0x3FD9]  }
0x89: {  	s3 =	sld [smem:$0x3FFE];
	_ =	sdelay $0x1  }
0x8a: {  	s1 =	srdreg.scid  }
0x8b: {  	s0 =	sand.u32 $0x1, s1  }
0x8c: {  	s18 =	sshll.u32 s0, $0xA;
	s2 =	sadd.s32 s3, s2  }
0x8d: {  	s2 =	sadd.s32 s2, s18  }
0x8e: {  	[smem:$0x3FC4] =	sst s2  }
0x8f: {  	_ = 	snop  }
0x90: {  	s2 =	sld [smem:$0x3FC9]  }
0x91: {  	s19 =	sld [smem:$0x3FC8]  }
0x92: {  	s4 =	sld [smem:$0x3FC7]  }
0x93: {  	s5 =	sld [smem:$0x3FC6]  }
0x94: {  	s6 =	sld [smem:$0x3FD0];
	(tm) =	ssettm $0x1  }
0x95: {  	s7 =	sld [smem:$0x3FFB];
	_ =	sdelay $0x3  }
0x96: {  	_ =	strace s7  }
0x97: {  	s7 =	sld [smem:$0x3FFC];
	_ =	sdelay $0x3  }
0x98: {  	_ =	strace s7  }
0x99: {  	s7 =	sld [smem:$0x3FFD];
	_ =	sdelay $0x3  }
0x9a: {  	_ =	strace s7  }
0x9b: {  	_ =	strace $0x8FFFFFFF  }
0x9c: {  	s20 =	sld [smem:$0x3FDB];
	_ =	sdelay $0x1  }
0x9d: {  	s8 =	simm.s32 $_scs_section_size  }
0x9e: {  	s9 =	simm.s32 $_size__tile_overlayer_lowered;
	s10 =	simm.s32 $_tile_overlayer_lowered  }
0x9f: {  	s23 =	simm.s32 $0x1BFF;
	s22 =	sshll.u32 s10, $0x1;
	s7 =	sadd.s32 s8, s20  }
0xa0: {  	s11 =	simm.s32 $0x0;
	s21 =	sshll.u32 s9, $0x1;
	s9 =	sadd.s32 s22, s7  }
0xa1: {  	[timem:s11], [sflag:s23] =	dma.local [hbm:s9], s21  }
0xa2: {  	_ =	swait.ge [sflag:s23], s21  }
0xa3: {  	s8 =	ssub.s32 $0x0, s21;
	[sflag:s23] =	ssyncset.done $0x0  }
0xa4: {  	[sflag:s23] =	ssyncadd.s32 s8;
	_ =	sdelay $0x1  }
0xa5: {  	s24 =	simm.s32 $0x1B8B  }
0xa6: {  	_ =	swait.ge [sflag:s24], $0x1  }
0xa7: {  	[sflag:s24] =	ssyncset.done $0x0  }
0xa8: {  	s25 =	simm.s32 $0x1B8E;
	[sflag:s24] =	ssyncadd.s32 $0xFFFFFFFF  }
0xa9: {  	s26 =	simm.s32 $execute0_lowered;
	[smem:$0x3FD2] =	sst s25  }
0xaa: {  	s8 =	sshll.u32 s26, $0x1;
	_ =	strace $0x80000046;
	[dreg:$0x1] =	wrdreg $0xFFFFFFFF  }
0xab: {  	s28 =	simm.s32 $_size_execute0_lowered;
	s7 =	sadd.s32 s7, s8;
	[dreg:$0x0] =	wrdreg $0x0  }
0xac: {  	s8 =	sshll.u32 s28, $0x1;
	[dreg:$0x2] =	wrdreg s7  }
0xad: {  	[dreg:$0x3] =	wrdreg s8  }
0xae: {  	[dreg:$0x4] =	wrdreg $0xC0  }
0xaf: {  	_ =	task [dreg:s11], $0x5FFFF  }
0xb0: {  	[dreg:$0x1] =	wrdreg $0xFFFFFFFF  }
0xb1: {  	[dreg:$0x0] =	wrdreg $0x60  }
0xb2: {  	[dreg:$0x2] =	wrdreg s2  }
0xb3: {  	[dreg:$0x3] =	wrdreg s19  }
0xb4: {  	[dreg:$0x4] =	wrdreg s4  }
0xb5: {  	[dreg:$0x5] =	wrdreg s5  }
0xb6: {  	[dreg:$0x6] =	wrdreg s6  }
0xb7: {  	[dreg:$0x7] =	wrdreg $0x9  }
0xb8: {  	_ =	task.clear_ibuf [dreg:s11], $0x8FFFF;
	_ =	strace $0x90000046  }
0xb9: {  	s29 =	simm.s32 $0x9;
	_ =	strace $0x80000048  }
0xba: {  	_ =	swait.ge [sflag:s29], $0x1  }
0xbb: {  	[sflag:s29] =	ssyncadd.s32 $0xFFFFFFFF  }
0xbc: {  	_ =	strace $0x90000048  }
0xbd: {  	_ =	sfence  }
0xbe: {  	s30 =	sld [smem:$0x0];
	_ =	sdelay $0x2  }
0xbf: {  	s31 =	sshll.u32 s1, $0xD;
	s1 =	sshrl.u32 s1, $0x2  }
0xc0: {  	s3 =	sand.u32 $0x4000, s31;
	s1 =	sadd.s32 s1, s30  }
0xc1: {  	s0 =	sor.u32 s3, s0;
	s1 =	sshll.u32 s1, $0x11  }
0xc2: {  	s0 =	sor.u32 s1, s0  }
0xc3: {  	s0 =	sadd.s32 $0x8F2B, s0  }
0xc4: {  	[sflag:s0] =	ssyncadd.remote.s32 $0x1  }
0xc5: {  	_ =	sfence.sel $0xFFFF  }
0xc6: {  	[dreg:$0x0] =	wrdreg $0xFFFFFFFF;
	(pc) =	sbr.abs _section_cstart, $3  }
0xc7: {  	[dreg:$0x1] =	wrdreg $0xFFFFFFFF  }
0xc8: {  	_ =	task.clear_ibuf [dreg:s11], $0x2FFFF;
	_ =	strace $0x9FFFFFFF  }
0xc9: {  	(tm) =	ssettm $0x7FFFFFFF  }
tec
execute0_lowered:
.L_overlay_start_1:
0x0: {  	(tag) =	ssettag $0x1  }
0x1: {  	s2 =	rddreg [dreg:$0x0]  }
0x2: {  	s5 =	rddreg [dreg:$0x1]  }
0x3: {  	s1 =	rddreg [dreg:$0x2]  }
0x4: {  	s4 =	srdreg.scid;
	s3 =	rddreg [dreg:$0x3]  }
0x5: {  	s0 =	stileid.u32;
	s7 =	rddreg [dreg:$0x4]  }
0x6: {  	s16 =	simm.s32 $0x80;
	s6 =	sand.u32 $0x1, s4;
	s4 =	simm.s32 $0x0  }
0x7: {  	s17 =	simm.s32 $0x900;
	s18 =	simm.s32 $0x1100;
	[smem:$0x7FF] =	sst s4  }
0x8: {  	s19 =	simm.s32 $0x1900;
	_ =	strace $0x80000047;
	[dreg:$0x9] =	wrdreg s16  }
0x9: {  	s20 =	simm.s32 $0x2100;
	s21 =	simm.s32 $0x2900;
	[dreg:$0xa] =	wrdreg s17  }
0xa: {  	s23 =	simm.s32 $0x3100;
	s24 =	simm.s32 $0x3900;
	[dreg:$0xb] =	wrdreg s18  }
0xb: {  	s25 =	simm.s32 $0x4100;
	s26 =	simm.s32 $0x4900;
	[dreg:$0xc] =	wrdreg s19  }
0xc: {  	s10 =	simm.s32 $0x6100;
	s11 =	simm.s32 $0x6900;
	[dreg:$0xd] =	wrdreg s20  }
0xd: {  	s12 =	simm.s32 $0x7100;
	s28 =	simm.s32 $0x6500;
	[dreg:$0xe] =	wrdreg s21  }
0xe: {  	s29 =	simm.s32 $0x6D00;
	s30 =	simm.s32 $0x7500;
	[dreg:$0xf] =	wrdreg s23  }
0xf: {  	s31 =	simm.s32 $0x7D00;
	s9 =	sshll.u32 s0, $0x7;
	[dreg:$0x10] =	wrdreg s24  }
0x10: {  	s8 =	sshll.u32 s6, $0xB;
	s22 =	ssub.s32 $0x2, s6;
	[dreg:$0x11] =	wrdreg s25  }
0x11: {  	s8 =	sor.u32 s9, s8;
	s6 =	sshrl.u32 s22, $0x1;
	[dreg:$0x12] =	wrdreg s26  }
0x12: {  	s16 =	simm.s32 $0xD00;
	s17 =	simm.s32 $0x1500;
	s18 =	simm.s32 $0x1D00  }
0x13: {  	s19 =	simm.s32 $0x2500;
	s20 =	simm.s32 $0x2D00;
	s21 =	simm.s32 $0x3500  }
0x14: {  	s23 =	simm.s32 $0x4500;
	s24 =	simm.s32 $0x4D00;
	s25 =	simm.s32 $0x5500  }
0x15: {  	s26 =	simm.s32 $0x5D00;
	s9 =	sshrl.u32 s8, $0x3;
	s14 =	sshll.u32 s8, $0x5  }
0x16: {  	s2 =	sadd.s32 s2, s9;
	s13 =	sadd.s32 s5, s9;
	s15 =	sadd.s32 s7, s14  }
0x17: {  	s5 =	ssub.s32 s22, s6;
	s6 =	simm.s32 $0x1;
	[dreg:$0x6] =	wrdreg s2  }
0x18: {  	v2 =	vlaneseq.u32;
	s7 =	simm.s32 $0x100;
	s14 =	simm.s32 $0x2;
	[dreg:$0x7] =	wrdreg s13  }
0x19: {  	vm0 =	vmmov $0xff;
	v1 =	vshrl.u32 v2, $0x3;
	s22 =	simm.s32 $0x3D00;
	[dreg:$0x8] =	wrdreg s15;
	s5 =	smax.u32 s5, $0x1  }
0x1a: {  	v0 =	vand.u32 $0x7, v2;
	v2 =	vor.u32 $0x8, v2;
	v1 =	vmul.u32 $0x8, v1;
	s13 =	simm.s32 $0x7900;
	s15 =	simm.s32 $0x500;
	s2 =	simm.s32 $0x3  }
.LBB2_1:
0x1b: {  	s0 =	rddreg [dreg:$0x6]  }
0x1c: {  	s8 =	rddreg [dreg:$0x7]  }
0x1d: {  	[tilespmem:s4], [sflag:$0x1] =	stream.linear.gather [hbm4b:s0+s4], $0x80, $0x38;
	[tilespmem:$0x8100] =	vst v63  }
0x1e: {  	s9 =	rddreg [dreg:$0x9]  }
0x1f: {  	[tilespmem:s9], [sflag:$0x2] =	stream.linear.gather [hbm4b:s8+s4], $0x80, $0x38;
	[tilespmem:$0x8100] =	vst v63  }
0x20: {  	_ =	swait.ge [sflag:s6], $0x80  }
0x21: {  	[sflag:s6] =	ssyncset.done $0x0  }
0x22: {  	[sflag:s6] =	ssyncadd.s32 $0xFFFFFF80  }
0x23: {  	v3 =	vld [tilespmem:$0x0];
	_ =	sdelay $0x4  }
0x24: {  	v4 =	vperm.xlane v3, v0;
	_ =	sdelay $0x1  }
0x25: {  	v3 =	vperm.xlane v3, v2;
	v4 =	vadd.s32 v1, v4;
	_ =	sdelay $0x1  }
0x26: {  	v3 =	vadd.s32 v1, v3;
	_ =	sdelay $0x2  }
0x27: {  	[tilespmem:s7], [sflag:$0x1] =	stream.indirect_vreg.gather [hbm4b:s1+s4], $0x80, v4, vm0, $0xb8;
	[tilespmem:$0x8100] =	vst v63  }
0x28: {  	s9 =	rddreg [dreg:$0xa]  }
0x29: {  	[tilespmem:s9], [sflag:$0x1] =	stream.indirect_vreg.gather [hbm4b:s1+s4], $0x80, v3, vm0, $0xb8;
	[tilespmem:$0x8100] =	vst v63  }
0x2a: {  	v3 =	vld [tilespmem:$0x10];
	_ =	sdelay $0x4  }
0x2b: {  	v49 =	vperm.xlane v3, v0;
	_ =	sdelay $0x1  }
0x2c: {  	v3 =	vperm.xlane v3, v2;
	v4 =	vadd.s32 v1, v49;
	_ =	sdelay $0x1  }
0x2d: {  	v3 =	vadd.s32 v1, v3;
	_ =	sdelay $0x1  }
0x2e: {  	s8 =	rddreg [dreg:$0xb]  }
0x2f: {  	[tilespmem:s8], [sflag:$0x1] =	stream.indirect_vreg.gather [hbm4b:s1+s4], $0x80, v4, vm0, $0xb8;
	[tilespmem:$0x8100] =	vst v63  }
0x30: {  	s9 =	rddreg [dreg:$0xc]  }
0x31: {  	[tilespmem:s9], [sflag:$0x1] =	stream.indirect_vreg.gather [hbm4b:s1+s4], $0x80, v3, vm0, $0xb8;
	[tilespmem:$0x8100] =	vst v63  }
0x32: {  	v3 =	vld [tilespmem:$0x20];
	_ =	sdelay $0x4  }
0x33: {  	v50 =	vperm.xlane v3, v0;
	_ =	sdelay $0x1  }
0x34: {  	v3 =	vperm.xlane v3, v2;
	v4 =	vadd.s32 v1, v50;
	_ =	sdelay $0x1  }
0x35: {  	v3 =	vadd.s32 v1, v3;
	_ =	sdelay $0x1  }
0x36: {  	s8 =	rddreg [dreg:$0xd]  }
0x37: {  	[tilespmem:s8], [sflag:$0x1] =	stream.indirect_vreg.gather [hbm4b:s1+s4], $0x80, v4, vm0, $0xb8;
	[tilespmem:$0x8100] =	vst v63  }
0x38: {  	s9 =	rddreg [dreg:$0xe]  }
0x39: {  	[tilespmem:s9], [sflag:$0x1] =	stream.indirect_vreg.gather [hbm4b:s1+s4], $0x80, v3, vm0, $0xb8;
	[tilespmem:$0x8100] =	vst v63  }
0x3a: {  	v3 =	vld [tilespmem:$0x30];
	_ =	sdelay $0x4  }
0x3b: {  	v51 =	vperm.xlane v3, v0;
	_ =	sdelay $0x1  }
0x3c: {  	v3 =	vperm.xlane v3, v2;
	v4 =	vadd.s32 v1, v51;
	_ =	sdelay $0x1  }
0x3d: {  	v3 =	vadd.s32 v1, v3;
	_ =	sdelay $0x1  }
0x3e: {  	s8 =	rddreg [dreg:$0xf]  }
0x3f: {  	[tilespmem:s8], [sflag:$0x1] =	stream.indirect_vreg.gather [hbm4b:s1+s4], $0x80, v4, vm0, $0xb8;
	[tilespmem:$0x8100] =	vst v63  }
0x40: {  	s9 =	rddreg [dreg:$0x10]  }
0x41: {  	[tilespmem:s9], [sflag:$0x1] =	stream.indirect_vreg.gather [hbm4b:s1+s4], $0x80, v3, vm0, $0xb8;
	[tilespmem:$0x8100] =	vst v63  }
0x42: {  	v3 =	vld [tilespmem:$0x40];
	_ =	sdelay $0x4  }
0x43: {  	v52 =	vperm.xlane v3, v0;
	_ =	sdelay $0x1  }
0x44: {  	v3 =	vperm.xlane v3, v2;
	v4 =	vadd.s32 v1, v52;
	_ =	sdelay $0x1  }
0x45: {  	v3 =	vadd.s32 v1, v3;
	_ =	sdelay $0x1  }
0x46: {  	s8 =	rddreg [dreg:$0x11]  }
0x47: {  	[tilespmem:s8], [sflag:$0x1] =	stream.indirect_vreg.gather [hbm4b:s1+s4], $0x80, v4, vm0, $0xb8;
	[tilespmem:$0x8100] =	vst v63  }
0x48: {  	s9 =	rddreg [dreg:$0x12]  }
0x49: {  	[tilespmem:s9], [sflag:$0x1] =	stream.indirect_vreg.gather [hbm4b:s1+s4], $0x80, v3, vm0, $0xb8;
	[tilespmem:$0x8100] =	vst v63  }
0x4a: {  	v3 =	vld [tilespmem:$0x50];
	_ =	sdelay $0x4  }
0x4b: {  	v53 =	vperm.xlane v3, v0;
	_ =	sdelay $0x1  }
0x4c: {  	v3 =	vperm.xlane v3, v2;
	v4 =	vadd.s32 v1, v53;
	_ =	sdelay $0x1  }
0x4d: {  	v3 =	vadd.s32 v1, v3;
	_ =	sdelay $0x1  }
0x4e: {  	s9 =	simm.s32 $0x5100  }
0x4f: {  	[tilespmem:s9], [sflag:$0x1] =	stream.indirect_vreg.gather [hbm4b:s1+s4], $0x80, v4, vm0, $0xb8;
	[tilespmem:$0x8100] =	vst v63  }
0x50: {  	s8 =	simm.s32 $0x5900  }
0x51: {  	[tilespmem:s8], [sflag:$0x1] =	stream.indirect_vreg.gather [hbm4b:s1+s4], $0x80, v3, vm0, $0xb8;
	[tilespmem:$0x8100] =	vst v63  }
0x52: {  	v3 =	vld [tilespmem:$0x60];
	_ =	sdelay $0x4  }
0x53: {  	v54 =	vperm.xlane v3, v0;
	_ =	sdelay $0x1  }
0x54: {  	v3 =	vperm.xlane v3, v2;
	v4 =	vadd.s32 v1, v54;
	_ =	sdelay $0x1  }
0x55: {  	v3 =	vadd.s32 v1, v3;
	_ =	sdelay $0x2  }
0x56: {  	[tilespmem:s10], [sflag:$0x1] =	stream.indirect_vreg.gather [hbm4b:s1+s4], $0x80, v4, vm0, $0xb8;
	[tilespmem:$0x8100] =	vst v63  }
0x57: {  	_ = 	snop  }
0x58: {  	[tilespmem:s11], [sflag:$0x1] =	stream.indirect_vreg.gather [hbm4b:s1+s4], $0x80, v3, vm0, $0xb8;
	[tilespmem:$0x8100] =	vst v63  }
0x59: {  	v3 =	vld [tilespmem:$0x70];
	_ =	sdelay $0x4  }
0x5a: {  	v55 =	vperm.xlane v3, v0;
	_ =	sdelay $0x1  }
0x5b: {  	v3 =	vperm.xlane v3, v2;
	v4 =	vadd.s32 v1, v55;
	_ =	sdelay $0x1  }
0x5c: {  	v3 =	vadd.s32 v1, v3;
	_ =	sdelay $0x2  }
0x5d: {  	[tilespmem:s12], [sflag:$0x1] =	stream.indirect_vreg.gather [hbm4b:s1+s4], $0x80, v4, vm0, $0xb8;
	[tilespmem:$0x8100] =	vst v63  }
0x5e: {  	_ = 	snop  }
0x5f: {  	[tilespmem:s13], [sflag:$0x1] =	stream.indirect_vreg.gather [hbm4b:s1+s4], $0x80, v3, vm0, $0xb8;
	[tilespmem:$0x8100] =	vst v63  }
0x60: {  	_ =	swait.ge [sflag:s14], $0x80  }
0x61: {  	[sflag:s14] =	ssyncset.done $0x0  }
0x62: {  	[sflag:s14] =	ssyncadd.s32 $0xFFFFFF80  }
0x63: {  	v3 =	vld [tilespmem:$0x80];
	_ =	sdelay $0x4  }
0x64: {  	v56 =	vperm.xlane v3, v0;
	_ =	sdelay $0x1  }
0x65: {  	v3 =	vperm.xlane v3, v2;
	v4 =	vadd.s32 v1, v56;
	_ =	sdelay $0x1  }
0x66: {  	v3 =	vadd.s32 v1, v3;
	_ =	sdelay $0x2  }
0x67: {  	[tilespmem:s15], [sflag:$0x2] =	stream.indirect_vreg.gather [hbm4b:s3+s4], $0x80, v4, vm0, $0xb8;
	[tilespmem:$0x8100] =	vst v63  }
0x68: {  	_ = 	snop  }
0x69: {  	[tilespmem:s16], [sflag:$0x2] =	stream.indirect_vreg.gather [hbm4b:s3+s4], $0x80, v3, vm0, $0xb8;
	[tilespmem:$0x8100] =	vst v63  }
0x6a: {  	v3 =	vld [tilespmem:$0x90];
	_ =	sdelay $0x4  }
0x6b: {  	v57 =	vperm.xlane v3, v0;
	_ =	sdelay $0x1  }
0x6c: {  	v3 =	vperm.xlane v3, v2;
	v4 =	vadd.s32 v1, v57;
	_ =	sdelay $0x1  }
0x6d: {  	v3 =	vadd.s32 v1, v3;
	_ =	sdelay $0x2  }
0x6e: {  	[tilespmem:s17], [sflag:$0x2] =	stream.indirect_vreg.gather [hbm4b:s3+s4], $0x80, v4, vm0, $0xb8;
	[tilespmem:$0x8100] =	vst v63  }
0x6f: {  	_ = 	snop  }
0x70: {  	[tilespmem:s18], [sflag:$0x2] =	stream.indirect_vreg.gather [hbm4b:s3+s4], $0x80, v3, vm0, $0xb8;
	[tilespmem:$0x8100] =	vst v63  }
0x71: {  	v3 =	vld [tilespmem:$0xA0];
	_ =	sdelay $0x4  }
0x72: {  	v58 =	vperm.xlane v3, v0;
	_ =	sdelay $0x1  }
0x73: {  	v3 =	vperm.xlane v3, v2;
	v4 =	vadd.s32 v1, v58;
	_ =	sdelay $0x1  }
0x74: {  	v3 =	vadd.s32 v1, v3;
	_ =	sdelay $0x2  }
0x75: {  	[tilespmem:s19], [sflag:$0x2] =	stream.indirect_vreg.gather [hbm4b:s3+s4], $0x80, v4, vm0, $0xb8;
	[tilespmem:$0x8100] =	vst v63  }
0x76: {  	_ = 	snop  }
0x77: {  	[tilespmem:s20], [sflag:$0x2] =	stream.indirect_vreg.gather [hbm4b:s3+s4], $0x80, v3, vm0, $0xb8;
	[tilespmem:$0x8100] =	vst v63  }
0x78: {  	v3 =	vld [tilespmem:$0xB0];
	_ =	sdelay $0x4  }
0x79: {  	v59 =	vperm.xlane v3, v0;
	_ =	sdelay $0x1  }
0x7a: {  	v3 =	vperm.xlane v3, v2;
	v4 =	vadd.s32 v1, v59;
	_ =	sdelay $0x1  }
0x7b: {  	v3 =	vadd.s32 v1, v3;
	_ =	sdelay $0x2  }
0x7c: {  	[tilespmem:s21], [sflag:$0x2] =	stream.indirect_vreg.gather [hbm4b:s3+s4], $0x80, v4, vm0, $0xb8;
	[tilespmem:$0x8100] =	vst v63  }
0x7d: {  	_ = 	snop  }
0x7e: {  	[tilespmem:s22], [sflag:$0x2] =	stream.indirect_vreg.gather [hbm4b:s3+s4], $0x80, v3, vm0, $0xb8;
	[tilespmem:$0x8100] =	vst v63  }
0x7f: {  	v3 =	vld [tilespmem:$0xC0];
	_ =	sdelay $0x4  }
0x80: {  	v60 =	vperm.xlane v3, v0;
	_ =	sdelay $0x1  }
0x81: {  	v3 =	vperm.xlane v3, v2;
	v4 =	vadd.s32 v1, v60;
	_ =	sdelay $0x1  }
0x82: {  	v3 =	vadd.s32 v1, v3;
	_ =	sdelay $0x2  }
0x83: {  	[tilespmem:s23], [sflag:$0x2] =	stream.indirect_vreg.gather [hbm4b:s3+s4], $0x80, v4, vm0, $0xb8;
	[tilespmem:$0x8100] =	vst v63  }
0x84: {  	_ = 	snop  }
0x85: {  	[tilespmem:s24], [sflag:$0x2] =	stream.indirect_vreg.gather [hbm4b:s3+s4], $0x80, v3, vm0, $0xb8;
	[tilespmem:$0x8100] =	vst v63  }
0x86: {  	v3 =	vld [tilespmem:$0xD0];
	_ =	sdelay $0x4  }
0x87: {  	v61 =	vperm.xlane v3, v0;
	_ =	sdelay $0x1  }
0x88: {  	v3 =	vperm.xlane v3, v2;
	v4 =	vadd.s32 v1, v61;
	_ =	sdelay $0x1  }
0x89: {  	v3 =	vadd.s32 v1, v3;
	_ =	sdelay $0x2  }
0x8a: {  	[tilespmem:s25], [sflag:$0x2] =	stream.indirect_vreg.gather [hbm4b:s3+s4], $0x80, v4, vm0, $0xb8;
	[tilespmem:$0x8100] =	vst v63  }
0x8b: {  	_ = 	snop  }
0x8c: {  	[tilespmem:s26], [sflag:$0x2] =	stream.indirect_vreg.gather [hbm4b:s3+s4], $0x80, v3, vm0, $0xb8;
	[tilespmem:$0x8100] =	vst v63  }
0x8d: {  	v3 =	vld [tilespmem:$0xE0];
	_ =	sdelay $0x4  }
0x8e: {  	v62 =	vperm.xlane v3, v0;
	_ =	sdelay $0x1  }
0x8f: {  	v3 =	vperm.xlane v3, v2;
	v4 =	vadd.s32 v1, v62;
	_ =	sdelay $0x1  }
0x90: {  	v3 =	vadd.s32 v1, v3;
	_ =	sdelay $0x2  }
0x91: {  	[tilespmem:s28], [sflag:$0x2] =	stream.indirect_vreg.gather [hbm4b:s3+s4], $0x80, v4, vm0, $0xb8;
	[tilespmem:$0x8100] =	vst v63  }
0x92: {  	_ = 	snop  }
0x93: {  	[tilespmem:s29], [sflag:$0x2] =	stream.indirect_vreg.gather [hbm4b:s3+s4], $0x80, v3, vm0, $0xb8;
	[tilespmem:$0x8100] =	vst v63  }
0x94: {  	v3 =	vld [tilespmem:$0xF0];
	_ =	sdelay $0x4  }
0x95: {  	v63 =	vperm.xlane v3, v0;
	_ =	sdelay $0x1  }
0x96: {  	v3 =	vperm.xlane v3, v2;
	v4 =	vadd.s32 v1, v63;
	_ =	sdelay $0x1  }
0x97: {  	v3 =	vadd.s32 v1, v3;
	_ =	sdelay $0x2  }
0x98: {  	[tilespmem:s30], [sflag:$0x2] =	stream.indirect_vreg.gather [hbm4b:s3+s4], $0x80, v4, vm0, $0xb8;
	[tilespmem:$0x8100] =	vst v63  }
0x99: {  	_ = 	snop  }
0x9a: {  	[tilespmem:s31], [sflag:$0x2] =	stream.indirect_vreg.gather [hbm4b:s3+s4], $0x80, v3, vm0, $0xb8;
	[tilespmem:$0x8100] =	vst v63  }
0x9b: {  	_ =	swait.ge [sflag:s6], $0x4000  }
0x9c: {  	[sflag:s6] =	ssyncset.done $0x0  }
0x9d: {  	[sflag:s6] =	ssyncadd.s32 $0xFFFFC000  }
0x9e: {  	_ =	swait.ge [sflag:s14], $0x4000  }
0x9f: {  	p0 =	sne.s32 s5, $0x1;
	[sflag:s14] =	ssyncset.done $0x0  }
.Ltmp0:
0xa0: {  	s9 =	rddreg [dreg:$0x8];
	[sflag:s14] =	ssyncadd.s32 $0xFFFFC000;
	(pc) =	sbr.rel @p0 .LBB2_1-.Ltmp0, $4  }
0xa1: {  	[hbm4b:s9+s4] =	stream.linear.scatter [tilespmem:s7], [sflag:$0x3], $0x8000, $0x38;
	[tilespmem:$0x8100] =	vst v63  }
0xa2: {  	_ =	swait.ge [sflag:s2], $0x8000  }
0xa3: {  	[sflag:s2] =	ssyncset.done $0x0  }
0xa4: {  	s5 =	sadd.s32 $0xFFFFFFFF, s5;
	[sflag:s2] =	ssyncadd.s32 $0xFFFF8000  }
0xa5: {  	_ =	sfence.sel $0x180000  }
0xa6: {  	[bflag:$0x0] =	sbarrier.arrive $0xFFFF  }
0xa7: {  	_ =	strace $0x90000047  }
0xa8: {  	s0 =	stileid.u32;
	[bflag:$0x2] =	sbarrier.arrive $0xFFFF  }
0xa9: {  	p0 =	sne.s32 s0, $0x0;
	s0 =	rddreg [dreg:$0x5]  }
0xaa: {  	s0 =	sadd.s32 @!p0 $0x100000, s0  }
0xab: {  	[sflag:s0] =	ssyncadd.tile.s32 @!p0 $0x1;
	_ =	shalt  }
.Lfunc_end2:
_tile_overlayer_lowered:
.L_overlay_start_2:
0xac: {  	(tag) =	ssettag $0x2  }
0xad: {  	s0 =	rddreg [dreg:$0x0];
	s2 =	stileid.u32  }
0xae: {  	s1 =	rddreg [dreg:$0x1];
	p0 =	sne.s32 s2, $0x0  }
0xaf: {  	s3 =	rddreg [dreg:$0x2];
	[bflag:$0x3] =	sbarrier.arrive $0xFFFF;
	s2 =	simm.s32 @!p0 $0x1C04  }
0xb0: {  	[timem:s3], [sflag:s2] =	dma.local @!p0 [hbm:s0], s1  }
0xb1: {  	s0 =	simm.s32 @!p0 $0x4  }
0xb2: {  	_ =	swait.ge @!p0 [sflag:s0], s1  }
0xb3: {  	s1 =	ssub.s32 @!p0 $0x0, s1;
	[sflag:s0] =	ssyncset.done @!p0 $0x0  }
0xb4: {  	[sflag:s0] =	ssyncadd.s32 @!p0 s1  }
0xb5: {  	[bflag:$0x3] =	sbarrier.arrive $0xFFFF  }
0xb6: {  	_ =	shalt  }

</sc_bundles>
